<compile_context>
chip_gen: v7x
topology: tpu7x:2x2x1
jax: 0.10.2.dev20260603
libtpu: 0.0.44.dev20260713+nightly
codegen_flags: <defaults>
</compile_context>

<pallas_src>
import functools

import jax
import jax.numpy as jnp
from jax import lax
from jax.experimental import pallas as pl
from jax.experimental.pallas import tpu as pltpu
from jax.experimental.pallas import tpu_sc as plsc

_W = 256
_I = 4096


def _sc_gather(table_pad, idx):
    n = idx.shape[0]
    dp = table_pad.shape[1]
    mesh = plsc.VectorSubcoreMesh(core_axis_name="c", subcore_axis_name="s")

    @functools.partial(
        pl.kernel,
        out_type=jax.ShapeDtypeStruct((n, dp), table_pad.dtype),
        mesh=mesh,
        scratch_types=[pltpu.VMEM_SHARED(table_pad.shape, table_pad.dtype)],
        compiler_params=pltpu.CompilerParams(use_tc_tiling_on_sc=False),
    )
    def k(table_hbm, i_hbm, o_hbm, table_s):
        @pl.when(lax.axis_index("s") == 0)
        def _():
            pltpu.sync_copy(table_hbm, table_s)

        plsc.subcore_barrier()

        def body(i_vmem, o_vmem):
            pltpu.sync_copy(table_s.at[i_vmem], o_vmem)

        pltpu.emit_pipeline(
            body,
            grid=(n // _W,),
            in_specs=[pl.BlockSpec((_W,), lambda i: (i,))],
            out_specs=[pl.BlockSpec((_W, dp), lambda i: (i, 0))],
            core_axis_name=("c", "s"),
            dimension_semantics=(pltpu.PARALLEL,),
        )(i_hbm, o_hbm)

    return k(table_pad, idx)


def _tc_transpose(rows, b, s, d):
    y = rows.reshape(-1).reshape(s, b, 128)

    def body(x_ref, o_ref):
        o_ref[0] = x_ref[0].T[:d, :]

    out_t = pl.pallas_call(
        body,
        grid=(s, b // _I),
        in_specs=[pl.BlockSpec((1, _I, 128), lambda j, i: (j, i, 0))],
        out_specs=pl.BlockSpec((1, d, _I), lambda j, i: (j, 0, i)),
        out_shape=jax.ShapeDtypeStruct((s, d, b), jnp.float32),
    )(y)
    return out_t.transpose(2, 0, 1)


def kernel(species, elementnum_to_vector):
    b, s = species.shape
    d = elementnum_to_vector.shape[1]
    table_pad = jnp.pad(elementnum_to_vector, ((0, 0), (0, 128 - d)))
    idx = species.T.reshape(b * s)
    rows = _sc_gather(table_pad, idx)
    return _tc_transpose(rows, b, s, d)

# --- scband reference (transcript-rebuilt; emitter-appended) ---
"""Pipeline reference for scband-element-array-teanet-original-82884278878519 (READ-ONLY COPY).

The authoritative reference and input builder live on the scoring server;
editing this copy changes nothing except your own understanding.
"""

import jax, jax.numpy as jnp
import numpy as np

N_SCALAR_INIT = 64

def _build_table(n_scalar_init):
    rows = []
    tmp = [0.0 for _ in range(n_scalar_init)]
    for i in range(2 * n_scalar_init + 1):
        tmp = [0.0 for _ in range(n_scalar_init)]
        for j in range(i):
            tmp[j // 2] += 0.5
        rows.append(tmp)
    rows.append(tmp)
    return jnp.asarray(np.array(rows, dtype=np.float32))

def setup_inputs(seed: int = 0) -> dict:
    key = jax.random.key(seed)
    species = jax.random.randint(key, (16384, 50), 0, 128, dtype=jnp.int64 if jax.config.read('jax_enable_x64') else jnp.int32)
    species = species.astype(jnp.int32)
    table = _build_table(N_SCALAR_INIT)
    return {"species": species, "elementnum_to_vector": table}

def reference(species, elementnum_to_vector):
    # Faithful translation: res = convert_tensor[species]
    res = jnp.take(elementnum_to_vector, species, axis=0)
    return res

if __name__ == "__main__":
    import jax
    _d = setup_inputs()
    print(jax.jit(kernel)(*tuple(_d.values())))

</pallas_src>

<mosaic_0001>
#map = affine_map<(d0, d1) -> (0, 0)>
#map1 = affine_map<(d0, d1) -> (0)>
module attributes {stable_mosaic.version = 14 : i64} {
  func.func @k(%arg0: i32, %arg1: i32, %arg2: memref<130x128xf32, #tpu.memory_space<hbm>>, %arg3: memref<819200xi32, #tpu.memory_space<hbm>>, %arg4: memref<819200x128xf32, #tpu.memory_space<hbm>>, %arg5: memref<130x128xf32, #tpu.memory_space<vmem_shared>>) attributes {dimension_semantics = [#tpu.dimension_semantics<core_parallel>, #tpu.dimension_semantics<subcore_parallel>], iteration_bounds = array<i64: 2, 16>, scalar_prefetch = 0 : i64, scratch_operands = 1 : i64, tpu.core_type = #tpu.core_type<sc_vector_subcore>, window_params = [{transform_indices = #map}, {transform_indices = #map1}, {transform_indices = #map}]} {
    %eq3A = arith.constant 0 : i32
    %eq3A_0 = arith.cmpi eq, %arg1, %eq3A : i32
    %convert_element_type3A = arith.extui %eq3A_0 : i1 to i32
    %cond3A = arith.constant 0 : i32
    %cond3A_1 = arith.cmpi ne, %convert_element_type3A, %cond3A : i32
    scf.if %cond3A_1 {
      "tpu.region"() ({
        %run_scoped3A = tpu.sem_alloc : memref<!tpu.dma_semaphore, #tpu.memory_space<semaphore_mem>>
        tpu.enqueue_dma source(%arg2 : memref<130x128xf32, #tpu.memory_space<hbm>>) target(%arg5 : memref<130x128xf32, #tpu.memory_space<vmem_shared>>) target_semaphore(%run_scoped3A : memref<!tpu.dma_semaphore, #tpu.memory_space<semaphore_mem>>)
        tpu.wait_dma2 semaphore(%run_scoped3A : memref<!tpu.dma_semaphore, #tpu.memory_space<semaphore_mem>>) src(%arg2 : memref<130x128xf32, #tpu.memory_space<hbm>>) dst(%arg5 : memref<130x128xf32, #tpu.memory_space<vmem_shared>>)
        tpu.yield
      }) : () -> ()
    } else {
    }
    %barrier3A = arith.constant 0 : index
    tpu.barrier barrier_id(%barrier3A)
    %mul3A = arith.constant 1 : i32
    %mul3A_2 = arith.muli %arg1, %mul3A : i32
    %add3A = arith.constant 0 : i32
    %add3A_3 = arith.addi %add3A, %mul3A_2 : i32
    %mul3A_4 = arith.constant 16 : i32
    %mul3A_5 = arith.muli %arg0, %mul3A_4 : i32
    %add3A_6 = arith.addi %add3A_3, %mul3A_5 : i32
    %mul3A_7 = arith.constant 100 : i32
    %mul3A_8 = arith.muli %add3A_6, %mul3A_7 : i32
    "tpu.region"() ({
      %run_scoped3A = memref.alloca() : memref<512xi32, #tpu.memory_space<vmem>>
      %run_scoped3A_9 = tpu.sem_alloc : memref<2x!tpu.dma_semaphore, #tpu.memory_space<semaphore_mem>>
      %run_scoped3A_10 = memref.alloca() : memref<2x256x128xf32, #tpu.memory_space<vmem>>
      %run_scoped3A_11 = tpu.sem_alloc : memref<2x!tpu.dma_semaphore, #tpu.memory_space<semaphore_mem>>
      %add3A_12 = arith.constant 0 : i32
      %add3A_13 = arith.addi %add3A_12, %mul3A_8 : i32
      %select_n3A = arith.constant true
      %select_n3A_14 = arith.constant 0 : i32
      %select_n3A_15 = arith.constant -1 : i32
      %select_n3A_16 = arith.select %select_n3A, %select_n3A_15, %select_n3A_14 : i32
      %eq3A_17 = arith.constant -1 : i32
      %eq3A_18 = arith.cmpi eq, %select_n3A_16, %eq3A_17 : i32
      %select_n3A_19 = arith.constant 99 : i32
      %select_n3A_20 = arith.select %eq3A_18, %select_n3A_19, %select_n3A_16 : i32
      %add3A_21 = arith.addi %select_n3A_20, %mul3A_8 : i32
      %select_n3A_22 = arith.constant true
      %select_n3A_23 = arith.constant 0 : i32
      %select_n3A_24 = arith.constant 1 : i32
      %select_n3A_25 = arith.select %select_n3A_22, %select_n3A_24, %select_n3A_23 : i32
      %eq3A_26 = arith.constant 100 : i32
      %eq3A_27 = arith.cmpi eq, %select_n3A_25, %eq3A_26 : i32
      %select_n3A_28 = arith.constant 0 : i32
      %select_n3A_29 = arith.select %eq3A_27, %select_n3A_28, %select_n3A_25 : i32
      %add3A_30 = arith.addi %select_n3A_29, %mul3A_8 : i32
      %add3A_31 = arith.constant 1 : i32
      %add3A_32 = arith.addi %select_n3A_29, %add3A_31 : i32
      %select_n3A_33 = arith.constant true
      %select_n3A_34 = arith.select %select_n3A_33, %add3A_32, %select_n3A_29 : i32
      %eq3A_35 = arith.constant 100 : i32
      %eq3A_36 = arith.cmpi eq, %select_n3A_34, %eq3A_35 : i32
      %select_n3A_37 = arith.constant 0 : i32
      %select_n3A_38 = arith.select %eq3A_36, %select_n3A_37, %select_n3A_34 : i32
      %add3A_39 = arith.addi %select_n3A_38, %mul3A_8 : i32
      "tpu.trace_start"() <{level = 10 : i32, message = "ep_initialize_0"}> : () -> ()
      %rem3A = arith.constant 0 : i32
      %rem3A_40 = arith.constant 2 : i32
      %rem3A_41 = arith.remui %rem3A, %rem3A_40 : i32
      %mul3A_42 = arith.constant 256 : i32
      %mul3A_43 = arith.muli %mul3A_42, %add3A_13 : i32
      %mul3A_44 = arith.constant 256 : i32
      %mul3A_45 = arith.muli %rem3A_41, %mul3A_44 : i32
      %add3A_46 = arith.constant 0 : i32
      %add3A_47 = arith.addi %mul3A_45, %add3A_46 : i32
      %dma_start3A = tpu.memref_slice %run_scoped3A[%add3A_47] : memref<512xi32, #tpu.memory_space<vmem>> -> memref<256xi32, #tpu.memory_space<vmem>>
      %dma_start3A_48 = tpu.memref_slice %arg3[%mul3A_43] : memref<819200xi32, #tpu.memory_space<hbm>> -> memref<256xi32, #tpu.memory_space<hbm>>
      %dma_start3A_49 = tpu.memref_slice %run_scoped3A_9[%rem3A_41] : memref<2x!tpu.dma_semaphore, #tpu.memory_space<semaphore_mem>> -> memref<1x!tpu.dma_semaphore, #tpu.memory_space<semaphore_mem>>
      %dma_start3A_50 = tpu.memref_squeeze %dma_start3A_49 : memref<1x!tpu.dma_semaphore, #tpu.memory_space<semaphore_mem>> -> memref<!tpu.dma_semaphore, #tpu.memory_space<semaphore_mem>>
      %dma_start3A_51 = tpu.memref_slice %run_scoped3A[%add3A_47] : memref<512xi32, #tpu.memory_space<vmem>> -> memref<256xi32, #tpu.memory_space<vmem>>
      %dma_start3A_52 = tpu.memref_slice %arg3[%mul3A_43] : memref<819200xi32, #tpu.memory_space<hbm>> -> memref<256xi32, #tpu.memory_space<hbm>>
      tpu.enqueue_dma source(%dma_start3A_52 : memref<256xi32, #tpu.memory_space<hbm>>) target(%dma_start3A_51 : memref<256xi32, #tpu.memory_space<vmem>>) target_semaphore(%dma_start3A_50 : memref<!tpu.dma_semaphore, #tpu.memory_space<semaphore_mem>>)
      %add3A_53 = arith.constant 0 : i32
      %add3A_54 = arith.constant 1 : i32
      %add3A_55 = arith.addi %add3A_53, %add3A_54 : i32
      %select_n3A_56 = arith.constant true
      %select_n3A_57 = arith.constant 0 : i32
      %select_n3A_58 = arith.select %select_n3A_56, %add3A_55, %select_n3A_57 : i32
      "tpu.trace_stop"() : () -> ()
      %scan3A = arith.constant 0 : i32
      %scan3A_59 = arith.constant 0 : i32
      %scan3A_60 = arith.constant 0 : i32
      %scan3A_61 = arith.constant 0 : i32
      %scan3A_62 = arith.constant 0 : i32
      %scan3A_63 = arith.constant 100 : i32
      %scan3A_64 = arith.addi %scan3A_62, %scan3A_63 : i32
      %scan3A_65 = arith.constant 1 : i32
      %scan3A_66:5 = scf.for %scan3A_120 = %scan3A_62 to %scan3A_64 step %scan3A_65 iter_args(%scan3A_121 = %select_n3A_58, %scan3A_122 = %scan3A, %scan3A_123 = %scan3A_59, %scan3A_124 = %scan3A_60, %scan3A_125 = %scan3A_61) -> (i32, i32, i32, i32, i32)  : i32 {
        %eq3A_126 = arith.constant 0 : i32
        %eq3A_127 = arith.cmpi eq, %scan3A_120, %eq3A_126 : i32
        %eq3A_128 = arith.constant 99 : i32
        %eq3A_129 = arith.cmpi eq, %scan3A_120, %eq3A_128 : i32
        %add3A_130 = arith.addi %scan3A_125, %mul3A_8 : i32
        %sub3A_131 = arith.constant 1 : i32
        %sub3A_132 = arith.subi %scan3A_125, %sub3A_131 : i32
        %select_n3A_133 = arith.constant true
        %select_n3A_134 = arith.select %select_n3A_133, %sub3A_132, %scan3A_125 : i32
        %eq3A_135 = arith.constant -1 : i32
        %eq3A_136 = arith.cmpi eq, %select_n3A_134, %eq3A_135 : i32
        %select_n3A_137 = arith.constant 99 : i32
        %select_n3A_138 = arith.select %eq3A_136, %select_n3A_137, %select_n3A_134 : i32
        %add3A_139 = arith.addi %select_n3A_138, %mul3A_8 : i32
        %add3A_140 = arith.constant 1 : i32
        %add3A_141 = arith.addi %scan3A_125, %add3A_140 : i32
        %select_n3A_142 = arith.constant true
        %select_n3A_143 = arith.select %select_n3A_142, %add3A_141, %scan3A_125 : i32
        %eq3A_144 = arith.constant 100 : i32
        %eq3A_145 = arith.cmpi eq, %select_n3A_143, %eq3A_144 : i32
        %select_n3A_146 = arith.constant 0 : i32
        %select_n3A_147 = arith.select %eq3A_145, %select_n3A_146, %select_n3A_143 : i32
        %add3A_148 = arith.addi %select_n3A_147, %mul3A_8 : i32
        %add3A_149 = arith.constant 1 : i32
        %add3A_150 = arith.addi %select_n3A_147, %add3A_149 : i32
        %select_n3A_151 = arith.constant true
        %select_n3A_152 = arith.select %select_n3A_151, %add3A_150, %select_n3A_147 : i32
        %eq3A_153 = arith.constant 100 : i32
        %eq3A_154 = arith.cmpi eq, %select_n3A_152, %eq3A_153 : i32
        %select_n3A_155 = arith.constant 0 : i32
        %select_n3A_156 = arith.select %eq3A_154, %select_n3A_155, %select_n3A_152 : i32
        %add3A_157 = arith.addi %select_n3A_156, %mul3A_8 : i32
        %ne3A = arith.cmpi ne, %add3A_130, %add3A_148 : i32
        %or3A = arith.constant false
        %or3A_158 = arith.ori %or3A, %ne3A : i1
        %ge3A = arith.constant 99 : i32
        %ge3A_159 = arith.cmpi sge, %scan3A_120, %ge3A : i32
        %not3A = arith.constant true
        %not3A_160 = arith.xori %ge3A_159, %not3A : i1
        %and3A = arith.andi %or3A_158, %not3A_160 : i1
        %convert_element_type3A_161 = arith.extui %and3A : i1 to i32
        %cond3A_162 = arith.constant 0 : i32
        %cond3A_163 = arith.cmpi ne, %convert_element_type3A_161, %cond3A_162 : i32
        scf.if %cond3A_163 {
          "tpu.trace_start"() <{level = 10 : i32, message = "ep_copy_in"}> : () -> ()
          %rem3A_266 = arith.constant 2 : i32
          %rem3A_267 = arith.remui %scan3A_121, %rem3A_266 : i32
          %mul3A_268 = arith.constant 256 : i32
          %mul3A_269 = arith.muli %mul3A_268, %add3A_148 : i32
          %mul3A_270 = arith.constant 256 : i32
          %mul3A_271 = arith.muli %rem3A_267, %mul3A_270 : i32
          %add3A_272 = arith.constant 0 : i32
          %add3A_273 = arith.addi %mul3A_271, %add3A_272 : i32
          %dma_start3A_274 = tpu.memref_slice %run_scoped3A[%add3A_273] : memref<512xi32, #tpu.memory_space<vmem>> -> memref<256xi32, #tpu.memory_space<vmem>>
          %dma_start3A_275 = tpu.memref_slice %arg3[%mul3A_269] : memref<819200xi32, #tpu.memory_space<hbm>> -> memref<256xi32, #tpu.memory_space<hbm>>
          %dma_start3A_276 = tpu.memref_slice %run_scoped3A_9[%rem3A_267] : memref<2x!tpu.dma_semaphore, #tpu.memory_space<semaphore_mem>> -> memref<1x!tpu.dma_semaphore, #tpu.memory_space<semaphore_mem>>
          %dma_start3A_277 = tpu.memref_squeeze %dma_start3A_276 : memref<1x!tpu.dma_semaphore, #tpu.memory_space<semaphore_mem>> -> memref<!tpu.dma_semaphore, #tpu.memory_space<semaphore_mem>>
          %dma_start3A_278 = tpu.memref_slice %run_scoped3A[%add3A_273] : memref<512xi32, #tpu.memory_space<vmem>> -> memref<256xi32, #tpu.memory_space<vmem>>
          %dma_start3A_279 = tpu.memref_slice %arg3[%mul3A_269] : memref<819200xi32, #tpu.memory_space<hbm>> -> memref<256xi32, #tpu.memory_space<hbm>>
          tpu.enqueue_dma source(%dma_start3A_279 : memref<256xi32, #tpu.memory_space<hbm>>) target(%dma_start3A_278 : memref<256xi32, #tpu.memory_space<vmem>>) target_semaphore(%dma_start3A_277 : memref<!tpu.dma_semaphore, #tpu.memory_space<semaphore_mem>>)
          "tpu.trace_stop"() : () -> ()
        } else {
        }
        %and3A_164 = arith.constant true
        %and3A_165 = arith.andi %and3A, %and3A_164 : i1
        %add3A_166 = arith.constant 1 : i32
        %add3A_167 = arith.addi %scan3A_121, %add3A_166 : i32
        %select_n3A_168 = arith.select %and3A_165, %add3A_167, %scan3A_121 : i32
        %ne3A_169 = arith.cmpi ne, %add3A_130, %add3A_148 : i32
        %or3A_170 = arith.constant false
        %or3A_171 = arith.ori %or3A_170, %ne3A_169 : i1
        %or3A_172 = arith.constant false
        %or3A_173 = arith.ori %or3A_171, %or3A_172 : i1
        %ge3A_174 = arith.constant 99 : i32
        %ge3A_175 = arith.cmpi sge, %scan3A_120, %ge3A_174 : i32
        %not3A_176 = arith.constant true
        %not3A_177 = arith.xori %ge3A_175, %not3A_176 : i1
        %and3A_178 = arith.andi %or3A_173, %not3A_177 : i1
        %ne3A_179 = arith.cmpi ne, %add3A_130, %add3A_139 : i32
        %or3A_180 = arith.constant false
        %or3A_181 = arith.ori %or3A_180, %ne3A_179 : i1
        %or3A_182 = arith.ori %or3A_181, %eq3A_127 : i1
        %convert_element_type3A_183 = arith.extui %or3A_182 : i1 to i32
        %cond3A_184 = arith.constant 0 : i32
        %cond3A_185 = arith.cmpi ne, %convert_element_type3A_183, %cond3A_184 : i32
        scf.if %cond3A_185 {
          "tpu.trace_start"() <{level = 10 : i32, message = "ep_wait_in"}> : () -> ()
          %mul3A_266 = arith.constant 256 : i32
          %mul3A_267 = arith.muli %mul3A_266, %add3A_130 : i32
          %rem3A_268 = arith.constant 2 : i32
          %rem3A_269 = arith.remui %scan3A_122, %rem3A_268 : i32
          %mul3A_270 = arith.constant 256 : i32
          %mul3A_271 = arith.muli %rem3A_269, %mul3A_270 : i32
          %add3A_272 = arith.constant 0 : i32
          %add3A_273 = arith.addi %mul3A_271, %add3A_272 : i32
          %dma_wait3A_274 = tpu.memref_slice %run_scoped3A[%add3A_273] : memref<512xi32, #tpu.memory_space<vmem>> -> memref<256xi32, #tpu.memory_space<vmem>>
          %dma_wait3A_275 = tpu.memref_slice %arg3[%mul3A_267] : memref<819200xi32, #tpu.memory_space<hbm>> -> memref<256xi32, #tpu.memory_space<hbm>>
          %dma_wait3A_276 = tpu.memref_slice %run_scoped3A_9[%rem3A_269] : memref<2x!tpu.dma_semaphore, #tpu.memory_space<semaphore_mem>> -> memref<1x!tpu.dma_semaphore, #tpu.memory_space<semaphore_mem>>
          %dma_wait3A_277 = tpu.memref_squeeze %dma_wait3A_276 : memref<1x!tpu.dma_semaphore, #tpu.memory_space<semaphore_mem>> -> memref<!tpu.dma_semaphore, #tpu.memory_space<semaphore_mem>>
          %dma_wait3A_278 = tpu.memref_slice %run_scoped3A[%add3A_273] : memref<512xi32, #tpu.memory_space<vmem>> -> memref<256xi32, #tpu.memory_space<vmem>>
          %dma_wait3A_279 = tpu.memref_slice %arg3[%mul3A_267] : memref<819200xi32, #tpu.memory_space<hbm>> -> memref<256xi32, #tpu.memory_space<hbm>>
          tpu.wait_dma2 semaphore(%dma_wait3A_277 : memref<!tpu.dma_semaphore, #tpu.memory_space<semaphore_mem>>) src(%dma_wait3A_279 : memref<256xi32, #tpu.memory_space<hbm>>) dst(%dma_wait3A_278 : memref<256xi32, #tpu.memory_space<vmem>>)
          "tpu.trace_stop"() : () -> ()
        } else {
        }
        %ne3A_186 = arith.cmpi ne, %add3A_130, %add3A_139 : i32
        %or3A_187 = arith.constant false
        %or3A_188 = arith.ori %or3A_187, %ne3A_186 : i1
        %or3A_189 = arith.constant false
        %or3A_190 = arith.ori %or3A_188, %or3A_189 : i1
        %or3A_191 = arith.ori %or3A_190, %eq3A_127 : i1
        %convert_element_type3A_192 = arith.extui %or3A_191 : i1 to i32
        %cond3A_193 = arith.constant 0 : i32
        %cond3A_194 = arith.cmpi ne, %convert_element_type3A_192, %cond3A_193 : i32
        scf.if %cond3A_194 {
        } else {
        }
        %rem3A_195 = arith.constant 2 : i32
        %rem3A_196 = arith.remui %scan3A_122, %rem3A_195 : i32
        %mul3A_197 = arith.constant 256 : i32
        %mul3A_198 = arith.muli %rem3A_196, %mul3A_197 : i32
        %rem3A_199 = arith.constant 2 : i32
        %rem3A_200 = arith.remui %scan3A_123, %rem3A_199 : i32
        "tpu.trace_start"() <{level = 10 : i32, message = "ep_run_kernel"}> : () -> ()
        "tpu.region"() ({
          %run_scoped3A_266 = tpu.sem_alloc : memref<!tpu.dma_semaphore, #tpu.memory_space<semaphore_mem>>
          %dma_start3A_267 = arith.constant 0 : i32
          %dma_start3A_268 = arith.constant 0 : i32
          %dma_start3A_269 = tpu.memref_slice %run_scoped3A_10[%rem3A_200, %dma_start3A_267, %dma_start3A_268] : memref<2x256x128xf32, #tpu.memory_space<vmem>> -> memref<1x256x128xf32, #tpu.memory_space<vmem>>
          %dma_start3A_270 = tpu.memref_squeeze %dma_start3A_269 : memref<1x256x128xf32, #tpu.memory_space<vmem>> -> memref<256x128xf32, #tpu.memory_space<vmem>>
          %dma_start3A_271 = tpu.memref_slice %run_scoped3A[%mul3A_198] : memref<512xi32, #tpu.memory_space<vmem>> -> memref<256xi32, #tpu.memory_space<vmem>>
          %dma_start3A_272 = arith.constant 0 : i32
          %dma_start3A_273 = arith.constant 0 : i32
          %dma_start3A_274 = tpu.memref_slice %arg5[%dma_start3A_272, %dma_start3A_273] : memref<130x128xf32, #tpu.memory_space<vmem_shared>> -> memref<130x128xf32, #tpu.memory_space<vmem_shared>>
          tpu.enqueue_indirect_dma source(%dma_start3A_274 : memref<130x128xf32, #tpu.memory_space<vmem_shared>>) target(%dma_start3A_270 : memref<256x128xf32, #tpu.memory_space<vmem>>) offsets(%dma_start3A_271 : memref<256xi32, #tpu.memory_space<vmem>>) semaphore(%run_scoped3A_266 : memref<!tpu.dma_semaphore, #tpu.memory_space<semaphore_mem>>)
          %dma_wait3A_275 = arith.constant 0 : i32
          %dma_wait3A_276 = arith.constant 0 : i32
          %dma_wait3A_277 = tpu.memref_slice %run_scoped3A_10[%rem3A_200, %dma_wait3A_275, %dma_wait3A_276] : memref<2x256x128xf32, #tpu.memory_space<vmem>> -> memref<1x256x128xf32, #tpu.memory_space<vmem>>
          %dma_wait3A_278 = tpu.memref_squeeze %dma_wait3A_277 : memref<1x256x128xf32, #tpu.memory_space<vmem>> -> memref<256x128xf32, #tpu.memory_space<vmem>>
          %dma_wait3A_279 = tpu.memref_slice %run_scoped3A[%mul3A_198] : memref<512xi32, #tpu.memory_space<vmem>> -> memref<256xi32, #tpu.memory_space<vmem>>
          %dma_wait3A_280 = arith.constant 0 : i32
          %dma_wait3A_281 = arith.constant 0 : i32
          %dma_wait3A_282 = tpu.memref_slice %arg5[%dma_wait3A_280, %dma_wait3A_281] : memref<130x128xf32, #tpu.memory_space<vmem_shared>> -> memref<130x128xf32, #tpu.memory_space<vmem_shared>>
          tpu.wait_indirect_dma semaphore(%run_scoped3A_266 : memref<!tpu.dma_semaphore, #tpu.memory_space<semaphore_mem>>) src(%dma_wait3A_282 : memref<130x128xf32, #tpu.memory_space<vmem_shared>>) dst(%dma_wait3A_278 : memref<256x128xf32, #tpu.memory_space<vmem>>)
          tpu.yield
        }) : () -> ()
        "tpu.trace_stop"() : () -> ()
        %ne3A_201 = arith.cmpi ne, %add3A_130, %add3A_148 : i32
        %or3A_202 = arith.constant false
        %or3A_203 = arith.ori %or3A_202, %ne3A_201 : i1
        %or3A_204 = arith.ori %or3A_203, %eq3A_129 : i1
        %convert_element_type3A_205 = arith.extui %or3A_204 : i1 to i32
        %cond3A_206 = arith.constant 0 : i32
        %cond3A_207 = arith.cmpi ne, %convert_element_type3A_205, %cond3A_206 : i32
        scf.if %cond3A_207 {
        } else {
        }
        %and3A_208 = arith.constant false
        %and3A_209 = arith.andi %or3A_204, %and3A_208 : i1
        %ne3A_210 = arith.cmpi ne, %add3A_130, %add3A_148 : i32
        %or3A_211 = arith.constant false
        %or3A_212 = arith.ori %or3A_211, %ne3A_210 : i1
        %or3A_213 = arith.constant false
        %or3A_214 = arith.ori %or3A_212, %or3A_213 : i1
        %or3A_215 = arith.ori %or3A_214, %eq3A_129 : i1
        %convert_element_type3A_216 = arith.extui %or3A_215 : i1 to i32
        %cond3A_217 = arith.constant 0 : i32
        %cond3A_218 = arith.cmpi ne, %convert_element_type3A_216, %cond3A_217 : i32
        scf.if %cond3A_218 {
          "tpu.trace_start"() <{level = 10 : i32, message = "ep_copy_out"}> : () -> ()
          %rem3A_266 = arith.constant 2 : i32
          %rem3A_267 = arith.remui %scan3A_123, %rem3A_266 : i32
          %mul3A_268 = arith.constant 256 : i32
          %mul3A_269 = arith.muli %mul3A_268, %add3A_130 : i32
          %dma_start3A_270 = arith.constant 0 : i32
          %dma_start3A_271 = arith.constant 0 : i32
          %dma_start3A_272 = tpu.memref_slice %run_scoped3A_10[%rem3A_267, %dma_start3A_270, %dma_start3A_271] : memref<2x256x128xf32, #tpu.memory_space<vmem>> -> memref<1x256x128xf32, #tpu.memory_space<vmem>>
          %dma_start3A_273 = tpu.memref_squeeze %dma_start3A_272 : memref<1x256x128xf32, #tpu.memory_space<vmem>> -> memref<256x128xf32, #tpu.memory_space<vmem>>
          %dma_start3A_274 = arith.constant 0 : i32
          %dma_start3A_275 = tpu.memref_slice %arg4[%mul3A_269, %dma_start3A_274] : memref<819200x128xf32, #tpu.memory_space<hbm>> -> memref<256x128xf32, #tpu.memory_space<hbm>>
          %dma_start3A_276 = tpu.memref_slice %run_scoped3A_11[%rem3A_267] : memref<2x!tpu.dma_semaphore, #tpu.memory_space<semaphore_mem>> -> memref<1x!tpu.dma_semaphore, #tpu.memory_space<semaphore_mem>>
          %dma_start3A_277 = tpu.memref_squeeze %dma_start3A_276 : memref<1x!tpu.dma_semaphore, #tpu.memory_space<semaphore_mem>> -> memref<!tpu.dma_semaphore, #tpu.memory_space<semaphore_mem>>
          %dma_start3A_278 = arith.constant 0 : i32
          %dma_start3A_279 = tpu.memref_slice %arg4[%mul3A_269, %dma_start3A_278] : memref<819200x128xf32, #tpu.memory_space<hbm>> -> memref<256x128xf32, #tpu.memory_space<hbm>>
          %dma_start3A_280 = arith.constant 0 : i32
          %dma_start3A_281 = arith.constant 0 : i32
          %dma_start3A_282 = tpu.memref_slice %run_scoped3A_10[%rem3A_267, %dma_start3A_280, %dma_start3A_281] : memref<2x256x128xf32, #tpu.memory_space<vmem>> -> memref<1x256x128xf32, #tpu.memory_space<vmem>>
          %dma_start3A_283 = tpu.memref_squeeze %dma_start3A_282 : memref<1x256x128xf32, #tpu.memory_space<vmem>> -> memref<256x128xf32, #tpu.memory_space<vmem>>
          tpu.enqueue_dma source(%dma_start3A_283 : memref<256x128xf32, #tpu.memory_space<vmem>>) target(%dma_start3A_279 : memref<256x128xf32, #tpu.memory_space<hbm>>) target_semaphore(%dma_start3A_277 : memref<!tpu.dma_semaphore, #tpu.memory_space<semaphore_mem>>)
          "tpu.trace_stop"() : () -> ()
        } else {
        }
        %and3A_219 = arith.constant true
        %and3A_220 = arith.andi %or3A_215, %and3A_219 : i1
        %add3A_221 = arith.constant 1 : i32
        %add3A_222 = arith.addi %scan3A_123, %add3A_221 : i32
        %select_n3A_223 = arith.select %and3A_220, %add3A_222, %scan3A_123 : i32
        %ne3A_224 = arith.cmpi ne, %add3A_130, %add3A_139 : i32
        %or3A_225 = arith.constant false
        %or3A_226 = arith.ori %or3A_225, %ne3A_224 : i1
        %not3A_227 = arith.constant true
        %not3A_228 = arith.xori %eq3A_127, %not3A_227 : i1
        %and3A_229 = arith.andi %or3A_226, %not3A_228 : i1
        %convert_element_type3A_230 = arith.extui %and3A_229 : i1 to i32
        %cond3A_231 = arith.constant 0 : i32
        %cond3A_232 = arith.cmpi ne, %convert_element_type3A_230, %cond3A_231 : i32
        scf.if %cond3A_232 {
        } else {
        }
        %and3A_233 = arith.constant false
        %and3A_234 = arith.andi %and3A_229, %and3A_233 : i1
        %ne3A_235 = arith.cmpi ne, %add3A_130, %add3A_139 : i32
        %or3A_236 = arith.constant false
        %or3A_237 = arith.ori %or3A_236, %ne3A_235 : i1
        %or3A_238 = arith.constant false
        %or3A_239 = arith.ori %or3A_237, %or3A_238 : i1
        %not3A_240 = arith.constant true
        %not3A_241 = arith.xori %eq3A_127, %not3A_240 : i1
        %and3A_242 = arith.andi %or3A_239, %not3A_241 : i1
        %convert_element_type3A_243 = arith.extui %and3A_242 : i1 to i32
        %cond3A_244 = arith.constant 0 : i32
        %cond3A_245 = arith.cmpi ne, %convert_element_type3A_243, %cond3A_244 : i32
        scf.if %cond3A_245 {
          "tpu.trace_start"() <{level = 10 : i32, message = "ep_wait_out"}> : () -> ()
          %rem3A_266 = arith.constant 2 : i32
          %rem3A_267 = arith.remui %scan3A_124, %rem3A_266 : i32
          %mul3A_268 = arith.constant 256 : i32
          %mul3A_269 = arith.muli %mul3A_268, %add3A_139 : i32
          %dma_wait3A_270 = arith.constant 0 : i32
          %dma_wait3A_271 = arith.constant 0 : i32
          %dma_wait3A_272 = tpu.memref_slice %run_scoped3A_10[%rem3A_267, %dma_wait3A_270, %dma_wait3A_271] : memref<2x256x128xf32, #tpu.memory_space<vmem>> -> memref<1x256x128xf32, #tpu.memory_space<vmem>>
          %dma_wait3A_273 = tpu.memref_squeeze %dma_wait3A_272 : memref<1x256x128xf32, #tpu.memory_space<vmem>> -> memref<256x128xf32, #tpu.memory_space<vmem>>
          %dma_wait3A_274 = arith.constant 0 : i32
          %dma_wait3A_275 = tpu.memref_slice %arg4[%mul3A_269, %dma_wait3A_274] : memref<819200x128xf32, #tpu.memory_space<hbm>> -> memref<256x128xf32, #tpu.memory_space<hbm>>
          %dma_wait3A_276 = tpu.memref_slice %run_scoped3A_11[%rem3A_267] : memref<2x!tpu.dma_semaphore, #tpu.memory_space<semaphore_mem>> -> memref<1x!tpu.dma_semaphore, #tpu.memory_space<semaphore_mem>>
          %dma_wait3A_277 = tpu.memref_squeeze %dma_wait3A_276 : memref<1x!tpu.dma_semaphore, #tpu.memory_space<semaphore_mem>> -> memref<!tpu.dma_semaphore, #tpu.memory_space<semaphore_mem>>
          %dma_wait3A_278 = arith.constant 0 : i32
          %dma_wait3A_279 = tpu.memref_slice %arg4[%mul3A_269, %dma_wait3A_278] : memref<819200x128xf32, #tpu.memory_space<hbm>> -> memref<256x128xf32, #tpu.memory_space<hbm>>
          %dma_wait3A_280 = arith.constant 0 : i32
          %dma_wait3A_281 = arith.constant 0 : i32
          %dma_wait3A_282 = tpu.memref_slice %run_scoped3A_10[%rem3A_267, %dma_wait3A_280, %dma_wait3A_281] : memref<2x256x128xf32, #tpu.memory_space<vmem>> -> memref<1x256x128xf32, #tpu.memory_space<vmem>>
          %dma_wait3A_283 = tpu.memref_squeeze %dma_wait3A_282 : memref<1x256x128xf32, #tpu.memory_space<vmem>> -> memref<256x128xf32, #tpu.memory_space<vmem>>
          tpu.wait_dma2 semaphore(%dma_wait3A_277 : memref<!tpu.dma_semaphore, #tpu.memory_space<semaphore_mem>>) src(%dma_wait3A_283 : memref<256x128xf32, #tpu.memory_space<vmem>>) dst(%dma_wait3A_279 : memref<256x128xf32, #tpu.memory_space<hbm>>)
          "tpu.trace_stop"() : () -> ()
        } else {
        }
        %and3A_246 = arith.constant true
        %and3A_247 = arith.andi %and3A_242, %and3A_246 : i1
        %add3A_248 = arith.constant 1 : i32
        %add3A_249 = arith.addi %scan3A_124, %add3A_248 : i32
        %select_n3A_250 = arith.select %and3A_247, %add3A_249, %scan3A_124 : i32
        %ne3A_251 = arith.cmpi ne, %add3A_130, %add3A_148 : i32
        %or3A_252 = arith.constant false
        %or3A_253 = arith.ori %or3A_252, %ne3A_251 : i1
        %or3A_254 = arith.ori %or3A_253, %eq3A_129 : i1
        %add3A_255 = arith.constant 1 : i32
        %add3A_256 = arith.addi %scan3A_122, %add3A_255 : i32
        %select_n3A_257 = arith.select %or3A_254, %add3A_256, %scan3A_122 : i32
        %add3A_258 = arith.constant 1 : i32
        %add3A_259 = arith.addi %scan3A_125, %add3A_258 : i32
        %select_n3A_260 = arith.constant true
        %select_n3A_261 = arith.select %select_n3A_260, %add3A_259, %scan3A_125 : i32
        %eq3A_262 = arith.constant 100 : i32
        %eq3A_263 = arith.cmpi eq, %select_n3A_261, %eq3A_262 : i32
        %select_n3A_264 = arith.constant 0 : i32
        %select_n3A_265 = arith.select %eq3A_263, %select_n3A_264, %select_n3A_261 : i32
        scf.yield %select_n3A_168, %select_n3A_257, %select_n3A_223, %select_n3A_250, %select_n3A_265 : i32, i32, i32, i32, i32
      }
      %scan3A_67 = arith.constant 100 : i32
      %sub3A = arith.constant 1 : i32
      %sub3A_68 = arith.subi %scan3A_66#4, %sub3A : i32
      %select_n3A_69 = arith.constant true
      %select_n3A_70 = arith.select %select_n3A_69, %sub3A_68, %scan3A_66#4 : i32
      %eq3A_71 = arith.constant -1 : i32
      %eq3A_72 = arith.cmpi eq, %select_n3A_70, %eq3A_71 : i32
      %select_n3A_73 = arith.constant 99 : i32
      %select_n3A_74 = arith.select %eq3A_72, %select_n3A_73, %select_n3A_70 : i32
      %add3A_75 = arith.addi %select_n3A_74, %mul3A_8 : i32
      %sub3A_76 = arith.constant 1 : i32
      %sub3A_77 = arith.subi %select_n3A_74, %sub3A_76 : i32
      %select_n3A_78 = arith.constant true
      %select_n3A_79 = arith.select %select_n3A_78, %sub3A_77, %select_n3A_74 : i32
      %eq3A_80 = arith.constant -1 : i32
      %eq3A_81 = arith.cmpi eq, %select_n3A_79, %eq3A_80 : i32
      %select_n3A_82 = arith.constant 99 : i32
      %select_n3A_83 = arith.select %eq3A_81, %select_n3A_82, %select_n3A_79 : i32
      %add3A_84 = arith.addi %select_n3A_83, %mul3A_8 : i32
      %add3A_85 = arith.constant 1 : i32
      %add3A_86 = arith.addi %select_n3A_74, %add3A_85 : i32
      %select_n3A_87 = arith.constant true
      %select_n3A_88 = arith.select %select_n3A_87, %add3A_86, %select_n3A_74 : i32
      %eq3A_89 = arith.constant 100 : i32
      %eq3A_90 = arith.cmpi eq, %select_n3A_88, %eq3A_89 : i32
      %select_n3A_91 = arith.constant 0 : i32
      %select_n3A_92 = arith.select %eq3A_90, %select_n3A_91, %select_n3A_88 : i32
      %add3A_93 = arith.addi %select_n3A_92, %mul3A_8 : i32
      %add3A_94 = arith.constant 1 : i32
      %add3A_95 = arith.addi %select_n3A_92, %add3A_94 : i32
      %select_n3A_96 = arith.constant true
      %select_n3A_97 = arith.select %select_n3A_96, %add3A_95, %select_n3A_92 : i32
      %eq3A_98 = arith.constant 100 : i32
      %eq3A_99 = arith.cmpi eq, %select_n3A_97, %eq3A_98 : i32
      %select_n3A_100 = arith.constant 0 : i32
      %select_n3A_101 = arith.select %eq3A_99, %select_n3A_100, %select_n3A_97 : i32
      %add3A_102 = arith.addi %select_n3A_101, %mul3A_8 : i32
      "tpu.trace_start"() <{level = 10 : i32, message = "ep_finalize"}> : () -> ()
      %rem3A_103 = arith.constant 2 : i32
      %rem3A_104 = arith.remui %scan3A_66#3, %rem3A_103 : i32
      %mul3A_105 = arith.constant 256 : i32
      %mul3A_106 = arith.muli %mul3A_105, %add3A_75 : i32
      %dma_wait3A = arith.constant 0 : i32
      %dma_wait3A_107 = arith.constant 0 : i32
      %dma_wait3A_108 = tpu.memref_slice %run_scoped3A_10[%rem3A_104, %dma_wait3A, %dma_wait3A_107] : memref<2x256x128xf32, #tpu.memory_space<vmem>> -> memref<1x256x128xf32, #tpu.memory_space<vmem>>
      %dma_wait3A_109 = tpu.memref_squeeze %dma_wait3A_108 : memref<1x256x128xf32, #tpu.memory_space<vmem>> -> memref<256x128xf32, #tpu.memory_space<vmem>>
      %dma_wait3A_110 = arith.constant 0 : i32
      %dma_wait3A_111 = tpu.memref_slice %arg4[%mul3A_106, %dma_wait3A_110] : memref<819200x128xf32, #tpu.memory_space<hbm>> -> memref<256x128xf32, #tpu.memory_space<hbm>>
      %dma_wait3A_112 = tpu.memref_slice %run_scoped3A_11[%rem3A_104] : memref<2x!tpu.dma_semaphore, #tpu.memory_space<semaphore_mem>> -> memref<1x!tpu.dma_semaphore, #tpu.memory_space<semaphore_mem>>
      %dma_wait3A_113 = tpu.memref_squeeze %dma_wait3A_112 : memref<1x!tpu.dma_semaphore, #tpu.memory_space<semaphore_mem>> -> memref<!tpu.dma_semaphore, #tpu.memory_space<semaphore_mem>>
      %dma_wait3A_114 = arith.constant 0 : i32
      %dma_wait3A_115 = tpu.memref_slice %arg4[%mul3A_106, %dma_wait3A_114] : memref<819200x128xf32, #tpu.memory_space<hbm>> -> memref<256x128xf32, #tpu.memory_space<hbm>>
      %dma_wait3A_116 = arith.constant 0 : i32
      %dma_wait3A_117 = arith.constant 0 : i32
      %dma_wait3A_118 = tpu.memref_slice %run_scoped3A_10[%rem3A_104, %dma_wait3A_116, %dma_wait3A_117] : memref<2x256x128xf32, #tpu.memory_space<vmem>> -> memref<1x256x128xf32, #tpu.memory_space<vmem>>
      %dma_wait3A_119 = tpu.memref_squeeze %dma_wait3A_118 : memref<1x256x128xf32, #tpu.memory_space<vmem>> -> memref<256x128xf32, #tpu.memory_space<vmem>>
      tpu.wait_dma2 semaphore(%dma_wait3A_113 : memref<!tpu.dma_semaphore, #tpu.memory_space<semaphore_mem>>) src(%dma_wait3A_119 : memref<256x128xf32, #tpu.memory_space<vmem>>) dst(%dma_wait3A_115 : memref<256x128xf32, #tpu.memory_space<hbm>>)
      "tpu.trace_stop"() : () -> ()
      tpu.yield
    }) : () -> ()
    return
  }
}

module attributes {stable_mosaic.version = 14 : i64} {
  func.func @body(%arg0: i32, %arg1: i32, %arg2: memref<1x4096x128xf32, #tpu.memory_space<vmem>>, %arg3: memref<1x64x4096xf32, #tpu.memory_space<vmem>>) attributes {dimension_semantics = [#tpu.dimension_semantics<arbitrary>, #tpu.dimension_semantics<arbitrary>], iteration_bounds = array<i64: 50, 4>, scalar_prefetch = 0 : i64, scratch_operands = 0 : i64, tpu.core_type = #tpu.core_type<tc>, window_params = [{transform_indices = @transform_0, window_bounds = array<i64: 1, 4096, 128>}, {transform_indices = @transform_1, window_bounds = array<i64: 1, 64, 4096>}]} {
    %get3A = arith.constant 0 : index
    %get3A_0 = arith.constant 0 : index
    %get3A_1 = arith.constant 0 : index
    %get3A_2 = vector.load %arg2[%get3A, %get3A_0, %get3A_1] : memref<1x4096x128xf32, #tpu.memory_space<vmem>>, vector<1x4096x128xf32>
    %get3A_3 = vector.shape_cast %get3A_2 : vector<1x4096x128xf32> to vector<4096x128xf32>
    %transpose3A = tpu.transpose %get3A_3, [1, 0] : vector<4096x128xf32> -> vector<128x4096xf32>
    %slice3A = vector.extract_strided_slice %transpose3A {offsets = [0, 0], sizes = [64, 4096], strides = [1, 1]} : vector<128x4096xf32> to vector<64x4096xf32>
    %swap3A = arith.constant 0 : index
    %swap3A_4 = arith.constant 0 : index
    %swap3A_5 = arith.constant 0 : index
    %swap3A_6 = vector.load %arg3[%swap3A, %swap3A_4, %swap3A_5] : memref<1x64x4096xf32, #tpu.memory_space<vmem>>, vector<1x64x4096xf32>
    %swap3A_7 = vector.shape_cast %swap3A_6 : vector<1x64x4096xf32> to vector<64x4096xf32>
    %swap3A_8 = vector.shape_cast %slice3A : vector<64x4096xf32> to vector<1x64x4096xf32>
    tpu.vector_store %arg3[%swap3A, %swap3A_4, %swap3A_5], %swap3A_8 {strides = array<i32>} : memref<1x64x4096xf32, #tpu.memory_space<vmem>>, vector<1x64x4096xf32>,
    return
  }
  func.func @transform_0(%arg0: i32, %arg1: i32) -> (i32, i32, i32) {
    %c0_i32 = arith.constant 0 : i32
    %c0_i32_0 = arith.constant 0 : i32
    return %arg0, %arg1, %c0_i32 : i32, i32, i32
  }
  func.func @transform_1(%arg0: i32, %arg1: i32) -> (i32, i32, i32) {
    %c0_i32 = arith.constant 0 : i32
    %c0_i32_0 = arith.constant 0 : i32
    return %arg0, %c0_i32, %arg1 : i32, i32, i32
  }
}

</mosaic_0001>

<sc_bundles>
// kernel: kernel.4.cloned.1.call-start
scs
__scs_entry_jumppad:
0x0: {  	(pc) =	sbr.rel $0x88, $3  }
0x1: {  	(tag) =	ssettag $0x0;
	lr =	simm.s32 $0x1  }
0x2: {  	[smem:$0x3F9F] =	sst lr;
	_ =	strace $0xD0000000  }
0x3: {  	_ = 	snop  }
0x4: {  	_ = 	snop  }
0x5: {  	_ = 	snop  }
0x6: {  	_ = 	snop  }
0x7: {  	_ = 	snop  }
__scs_overlays_trampoline_lowered:
0x8: {  	[smem:$0x3FAE] =	sst s0  }
0x9: {  	[smem:$0x3FAF] =	sst s1  }
0xa: {  	[smem:$0x3FB0] =	sst s2  }
0xb: {  	[smem:$0x3FB1] =	sst s3  }
0xc: {  	[smem:$0x3FB2] =	sst s4  }
0xd: {  	[smem:$0x3FB3] =	sst s5  }
0xe: {  	[smem:$0x3FB4] =	sst s6  }
0xf: {  	[smem:$0x3FB5] =	sst s7  }
0x10: {  	[smem:$0x3FB6] =	sst s8  }
0x11: {  	[smem:$0x3FB7] =	sst s9;
	s0 =	simm.s32 @!p0 $0x0  }
0x12: {  	s1 =	sld [smem:$0x3F9D];
	s0 =	simm.s32 @p0 $0x1  }
0x13: {  	[smem:$0x3FB8] =	sst s0;
	s0 =	simm.s32 @!p1 $0x0  }
0x14: {  	s2 =	sld [smem:$0x3F9C];
	s0 =	simm.s32 @p1 $0x1  }
0x15: {  	[smem:$0x3FB9] =	sst s0;
	s0 =	simm.s32 @!p2 $0x0  }
0x16: {  	s3 =	sld [smem:$0x3FDB];
	s0 =	simm.s32 @p2 $0x1  }
0x17: {  	s4 =	simm.s32 $0x1BF5;
	[smem:$0x3FBB] =	sst s0  }
0x18: {  	s0 =	sld [smem:$0x3F9E];
	_ =	swait.ge [sflag:s4], $0x0  }
0x19: {  	s7 =	sld [smem:$0x3F9F]  }
0x1a: {  	s8 =	sadd.s32 $0xFFFFE003, lr  }
0x1b: {  	s9 =	sadd.s32 $0xFFFFFEF7, lr;
	s5 =	simm.s32 $0xFFFFFFFF;
	p2 =	slt.u32 s8, $0xFFFFF086  }
0x1c: {  	p1 =	slt.u32 s9, $0xF7A;
	s5 =	simm.s32 @!p2 $0x0  }
0x1d: {  	s5 =	simm.s32 @p1 $0x1;
	p0 =	seq.s32 s7, s2  }
0x1e: {  	s7 =	smul.u32 @!p0 $0xF7A, s2;
	p2 =	seq.s32 @!p0 s5, $0x0  }
0x1f: {  	s9 =	smul.u32 $0xF7A, s1;
	s8 =	simm.s32 @!p0 $0x1BF5;
	p2 =	por !p2, p0  }
0x20: {  	[sflag:s8] =	ssyncset.s32 @!p0 $0xFFFFF086;
	s6 =	sadd.s32 @!p0 s3, s7;
	s7 =	simm.s32 @!p0 $0x108  }
0x21: {  	s3 =	sadd.s32 s3, s9;
	s6 =	sadd.s32 @!p0 $0x88, s6;
	s7 =	simm.s32 @p2 $0x1082  }
0x22: {  	[simem:s7], [sflag:s8] =	dma.local @!p0 [hbm:s6], $0xF7A  }
0x23: {  	s9 =	sor.u32 $0xD0000000, s2;
	s6 =	simm.s32 $0x108;
	_ =	swait.ge @!p0 [sflag:s8], $0x0  }
0x24: {  	s3 =	sadd.s32 $0x88, s3;
	s6 =	simm.s32 @!p1 $0x1082;
	[sflag:s4] =	ssyncset.s32 $0xFFFFF086  }
0x25: {  	[simem:s6], [sflag:s4] =	dma.local [hbm:s3], $0xF7A  }
0x26: {  	[smem:$0x3F9F] =	sst s1;
	(tag) =	ssettag s2;
	_ =	strace s9  }
0x27: {  	s1 =	sld [smem:$0x3FAF]  }
0x28: {  	s2 =	sld [smem:$0x3FB0]  }
0x29: {  	s4 =	sld [smem:$0x3FB2]  }
0x2a: {  	p0 =	seq.s32 s5, $0x0;
	s5 =	sld [smem:$0x3FB3]  }
0x2b: {  	s6 =	sld [smem:$0x3FB4]  }
0x2c: {  	s7 =	sld [smem:$0x3FB5]  }
0x2d: {  	s3 =	simm.s32 $0x108;
	s8 =	sld [smem:$0x3FB6]  }
0x2e: {  	s3 =	simm.s32 @!p0 $0x1082;
	s9 =	sld [smem:$0x3FB7]  }
0x2f: {  	lr =	sadd.s32 s0, s3;
	s0 =	sld [smem:$0x3FAE]  }
0x30: {  	s3 =	sld [smem:$0x3FB1]  }
0x31: {  	[smem:$0x3FBA] =	sst s10  }
0x32: {  	s10 =	sld [smem:$0x3FB8];
	_ =	sdelay $0x3  }
0x33: {  	p0 =	seq.s32 s10, $0x1;
	s10 =	sld [smem:$0x3FBA];
	_ =	sdelay $0x3  }
0x34: {  	[smem:$0x3FBA] =	sst s10  }
0x35: {  	s10 =	sld [smem:$0x3FB9];
	_ =	sdelay $0x3  }
0x36: {  	p1 =	seq.s32 s10, $0x1;
	s10 =	sld [smem:$0x3FBA];
	_ =	sdelay $0x3  }
0x37: {  	[smem:$0x3FBA] =	sst s10  }
0x38: {  	s10 =	sld [smem:$0x3FBB]  }
0x39: {  	_ = 	snop;
	(pc) =	sbr.ind lr, $3  }
0x3a: {  	_ = 	snop  }
0x3b: {  	_ = 	snop  }
0x3c: {  	p2 =	seq.s32 s10, $0x1;
	s10 =	sld [smem:$0x3FBA]  }
0x3d: {  	_ =	shalt  }
0x3e: {  	_ =	shalt  }
0x3f: {  	_ =	shalt  }
0x40: {  	_ =	shalt  }
0x41: {  	_ =	shalt  }
0x42: {  	_ =	shalt  }
0x43: {  	_ =	shalt  }
0x44: {  	_ =	shalt  }
0x45: {  	_ =	shalt  }
0x46: {  	_ =	shalt  }
0x47: {  	_ =	shalt  }
0x48: {  	_ =	shalt  }
0x49: {  	_ =	shalt  }
0x4a: {  	_ =	shalt  }
0x4b: {  	_ =	shalt  }
0x4c: {  	_ =	shalt  }
0x4d: {  	_ =	shalt  }
0x4e: {  	_ =	shalt  }
0x4f: {  	_ =	shalt  }
0x50: {  	_ =	shalt  }
0x51: {  	_ =	shalt  }
0x52: {  	_ =	shalt  }
0x53: {  	_ =	shalt  }
0x54: {  	_ =	shalt  }
0x55: {  	_ =	shalt  }
0x56: {  	_ =	shalt  }
0x57: {  	_ =	shalt  }
0x58: {  	_ =	shalt  }
0x59: {  	_ =	shalt  }
0x5a: {  	_ =	shalt  }
0x5b: {  	_ =	shalt  }
0x5c: {  	_ =	shalt  }
0x5d: {  	_ =	shalt  }
0x5e: {  	_ =	shalt  }
0x5f: {  	_ =	shalt  }
0x60: {  	_ =	shalt  }
0x61: {  	_ =	shalt  }
0x62: {  	_ =	shalt  }
0x63: {  	_ =	shalt  }
0x64: {  	_ =	shalt  }
0x65: {  	_ =	shalt  }
0x66: {  	_ =	shalt  }
0x67: {  	_ =	shalt  }
0x68: {  	_ =	shalt  }
0x69: {  	_ =	shalt  }
0x6a: {  	_ =	shalt  }
0x6b: {  	_ =	shalt  }
0x6c: {  	_ =	shalt  }
0x6d: {  	_ =	shalt  }
0x6e: {  	_ =	shalt  }
0x6f: {  	_ =	shalt  }
0x70: {  	_ =	shalt  }
0x71: {  	_ =	shalt  }
0x72: {  	_ =	shalt  }
0x73: {  	_ =	shalt  }
0x74: {  	_ =	shalt  }
0x75: {  	_ =	shalt  }
0x76: {  	_ =	shalt  }
0x77: {  	_ =	shalt  }
0x78: {  	_ =	shalt  }
0x79: {  	_ =	shalt  }
0x7a: {  	_ =	shalt  }
0x7b: {  	_ =	shalt  }
0x7c: {  	_ =	shalt  }
0x7d: {  	_ =	shalt  }
0x7e: {  	_ =	shalt  }
0x7f: {  	_ =	shalt  }
0x80: {  	_ =	shalt  }
0x81: {  	_ =	shalt  }
0x82: {  	_ =	shalt  }
0x83: {  	_ =	shalt  }
0x84: {  	_ =	shalt  }
0x85: {  	_ =	shalt  }
0x86: {  	_ =	shalt  }
0x87: {  	_ =	shalt  }
.Lfunc_end0:
.L_simem_size_0:
called_computation_lowered:
.L_overlay_start_0:
0x88: {  	s2 =	sld [smem:$0x3FD9]  }
0x89: {  	s3 =	sld [smem:$0x3FFE];
	_ =	sdelay $0x1  }
0x8a: {  	s1 =	srdreg.scid  }
0x8b: {  	s0 =	sand.u32 $0x1, s1  }
0x8c: {  	s17 =	sshll.u32 s0, $0xA;
	s2 =	sadd.s32 s3, s2  }
0x8d: {  	s2 =	sadd.s32 s2, s17  }
0x8e: {  	[smem:$0x3FC6] =	sst s2  }
0x8f: {  	_ = 	snop  }
0x90: {  	s2 =	sld [smem:$0x3FD0];
	(tm) =	ssettm $0x1  }
0x91: {  	s18 =	sld [smem:$0x3FFB];
	_ =	sdelay $0x3  }
0x92: {  	_ =	strace s18  }
0x93: {  	s3 =	sld [smem:$0x3FFC];
	_ =	sdelay $0x3  }
0x94: {  	_ =	strace s3  }
0x95: {  	s3 =	sld [smem:$0x3FFD];
	_ =	sdelay $0x3  }
0x96: {  	_ =	strace s3  }
0x97: {  	_ =	strace $0x8FFFFFFF  }
0x98: {  	s19 =	sld [smem:$0x3FDB];
	_ =	sdelay $0x1  }
0x99: {  	s4 =	simm.s32 $_scs_section_size  }
0x9a: {  	s5 =	simm.s32 $_size__tile_overlayer_lowered;
	s6 =	simm.s32 $_tile_overlayer_lowered  }
0x9b: {  	s22 =	simm.s32 $0x1BFF;
	s21 =	sshll.u32 s6, $0x1;
	s3 =	sadd.s32 s4, s19  }
0x9c: {  	s7 =	simm.s32 $0x0;
	s20 =	sshll.u32 s5, $0x1;
	s5 =	sadd.s32 s21, s3  }
0x9d: {  	[timem:s7], [sflag:s22] =	dma.local [hbm:s5], s20  }
0x9e: {  	_ =	swait.ge [sflag:s22], s20  }
0x9f: {  	s4 =	ssub.s32 $0x0, s20;
	[sflag:s22] =	ssyncset.done $0x0  }
0xa0: {  	[sflag:s22] =	ssyncadd.s32 s4;
	_ =	sdelay $0x1  }
0xa1: {  	s23 =	simm.s32 $0x1B8B  }
0xa2: {  	_ =	swait.ge [sflag:s23], $0x1  }
0xa3: {  	[sflag:s23] =	ssyncset.done $0x0  }
0xa4: {  	s25 =	simm.s32 $0x1B8E;
	s24 =	sld [smem:$0x3FFE];
	[sflag:s23] =	ssyncadd.s32 $0xFFFFFFFF  }
0xa5: {  	s26 =	simm.s32 $execute0_lowered;
	[smem:$0x3FD2] =	sst s25  }
0xa6: {  	s5 =	sshll.u32 s26, $0x1;
	_ =	strace $0x80000046;
	[dreg:$0x1] =	wrdreg $0xFFFFFFFF  }
0xa7: {  	s28 =	simm.s32 $_size_execute0_lowered;
	s3 =	sadd.s32 s3, s5;
	[dreg:$0x0] =	wrdreg $0x0  }
0xa8: {  	s5 =	sshll.u32 s28, $0x1;
	[dreg:$0x2] =	wrdreg s3  }
0xa9: {  	[dreg:$0x3] =	wrdreg s5  }
0xaa: {  	[dreg:$0x4] =	wrdreg $0xC0  }
0xab: {  	_ =	task [dreg:s7], $0x5FFFF  }
0xac: {  	[dreg:$0x1] =	wrdreg $0xFFFFFFFF  }
0xad: {  	[dreg:$0x0] =	wrdreg $0x60  }
0xae: {  	[dreg:$0x2] =	wrdreg s24  }
0xaf: {  	[dreg:$0x3] =	wrdreg s2  }
0xb0: {  	[dreg:$0x4] =	wrdreg $0x0  }
0xb1: {  	[dreg:$0x5] =	wrdreg $0x9  }
0xb2: {  	_ =	task.clear_ibuf [dreg:s7], $0x6FFFF;
	_ =	strace $0x90000046  }
0xb3: {  	s29 =	simm.s32 $0x9;
	_ =	strace $0x8000004F  }
0xb4: {  	_ =	swait.ge [sflag:s29], $0x1  }
0xb5: {  	[sflag:s29] =	ssyncadd.s32 $0xFFFFFFFF  }
0xb6: {  	_ =	strace $0x9000004F  }
0xb7: {  	_ =	sfence  }
0xb8: {  	s30 =	sld [smem:$0x0];
	_ =	sdelay $0x2  }
0xb9: {  	s31 =	sshll.u32 s1, $0xD;
	s1 =	sshrl.u32 s1, $0x2  }
0xba: {  	s3 =	sand.u32 $0x4000, s31;
	s1 =	sadd.s32 s1, s30  }
0xbb: {  	s0 =	sor.u32 s3, s0;
	s1 =	sshll.u32 s1, $0x11  }
0xbc: {  	s0 =	sor.u32 s1, s0  }
0xbd: {  	s0 =	sadd.s32 $0x8F2B, s0  }
0xbe: {  	[sflag:s0] =	ssyncadd.remote.s32 $0x1  }
0xbf: {  	_ =	sfence.sel $0xFFFF  }
0xc0: {  	[dreg:$0x0] =	wrdreg $0xFFFFFFFF;
	(pc) =	sbr.abs _section_cstart, $3  }
0xc1: {  	[dreg:$0x1] =	wrdreg $0xFFFFFFFF  }
0xc2: {  	_ =	task.clear_ibuf [dreg:s7], $0x2FFFF;
	_ =	strace $0x9FFFFFFF  }
0xc3: {  	(tm) =	ssettm $0x7FFFFFFF  }
tec
execute0_lowered:
.L_overlay_start_1:
0x0: {  	(tag) =	ssettag $0x1  }
0x1: {  	s4 =	rddreg [dreg:$0x0]  }
0x2: {  	s1 =	rddreg [dreg:$0x1]  }
0x3: {  	s2 =	rddreg [dreg:$0x2];
	s5 =	srdreg.scid;
	s3 =	simm.s32 $0x0  }
0x4: {  	s7 =	stileid.u32;
	s11 =	simm.s32 $0x100;
	s12 =	simm.s32 $0x4  }
0x5: {  	s13 =	simm.s32 $0x0;
	s5 =	sand.u32 $0x1, s5;
	[smem:$0x7FF] =	sst s3  }
0x6: {  	s8 =	sadd.s32 $0xE00, s4;
	s0 =	sadd.s32 $0x400, s4;
	p0 =	sne.s32 s7, $0x0  }
0x7: {  	s6 =	sshll.u32 s5, $0x4;
	_ =	strace $0x80000047;
	[dreg:$0x6] =	wrdreg s0  }
0x8: {  	s5 =	ssub.s32 $0x2, s5;
	[dreg:$0x5] =	wrdreg s8;
	s6 =	sor.u32 s7, s6  }
0x9: {  	s8 =	sshrl.u32 @!p0 s2, $0x3;
	s9 =	sshrl.u32 s5, $0x1;
	s10 =	smul.u32 $0xC80, s6  }
0xa: {  	[dreg:$0x4] =	wrdreg s11;
	s11 =	simm.s32 $0x5;
	s31 =	ssub.s32 s5, s9  }
0xb: {  	s5 =	smul.u32 $0x64, s6;
	s7 =	smax.u32 s31, $0x1;
	s6 =	sadd.s32 s1, s10  }
.LBB2_1:
0xc: {  	s14 =	simm.s32 @!p0 $0x1C01  }
0xd: {  	s0 =	rddreg [dreg:$0x6];
	s22 =	simm.s32 $0x410;
	s15 =	simm.s32 $0x1  }
0xe: {  	[spmem:s8], [sflag:s14] =	dma.local @!p0 [hbm:s0], $0x820  }
0xf: {  	p1 =	por $0x0, $0x0;
	p2 =	por $0x1, $0x1;
	s14 =	simm.s32 @!p0 $0x1  }
0x10: {  	s24 =	sand.u32 $0x1, s3;
	s15 =	simm.s32 @p1 $0x0;
	_ =	swait.ge @!p0 [sflag:s14], $0x820  }
0x11: {  	s25 =	simm.s32 $0x0;
	p1 =	sne.s32 s15, $0x0;
	[sflag:s14] =	ssyncset.done @!p0 $0x0  }
0x12: {  	p4 =	por $0x0, $0x0;
	p2 =	por !p2, !p1;
	[sflag:s14] =	ssyncadd.s32 @!p0 $0xFFFFF7E0  }
0x13: {  	s0 =	simm.s32 $0x1;
	p3 =	por !p2, !p2;
	[bflag:$0x0] =	sbarrier.arrive $0xFFFF  }
0x14: {  	s14 =	sadd.s32 @p3 s5, s15;
	s16 =	sand.u32 @p3 $0x1, s0;
	s18 =	simm.s32 @p3 $0x0  }
0x15: {  	_ =	strace $0x80000048;
	s14 =	sshll.u32 @p3 s14, $0x5;
	s17 =	sshll.u32 @p3 s16, $0x8  }
0x16: {  	[tilespmem:s22], [sflag:$0x1] =	stream.linear.gather [hbm4b:s6+s3], $0x100, $0x200038;
	[tilespmem:$0x10610] =	vst v63  }
0x17: {  	s16 =	sadd.s32 @p3 $0x1, s16;
	s14 =	sand.u32 @p3 $0x1FFFFFE0, s14;
	_ =	strace $0x90000048  }
0x18: {  	s17 =	sor.u32 @p3 $0x410, s17;
	s14 =	sadd.s32 @p3 s1, s14;
	_ =	strace @p3 $0x80000049  }
0x19: {  	[tilespmem:s17], [sflag:s16] =	stream.linear.gather @p3 [hbm4b:s14+s18], $0x100, $0x200038;
	[tilespmem:$0x10610] =	vst v63  }
0x1a: {  	p6 =	por $0x0, $0x0;
	s23 =	sadd.s32 $0x1, s24;
	_ =	strace @p3 $0x90000049  }
0x1b: {  	s26 =	sand.u32 $0x100, s25;
	s21 =	sshll.u32 s24, $0xF;
	_ =	strace $0x8000004A  }
0x1c: {  	s19 =	sadd.s32 $0x0, s5;
	s25 =	sor.u32 $0x610, s21;
	_ =	swait.ge [sflag:s23], $0x100  }
0x1d: {  	s21 =	simm.s32 $0x0;
	p2 =	por $0x1, $0x1;
	[sflag:s23] =	ssyncset.done $0x0  }
0x1e: {  	s14 =	simm.s32 $0x63;
	s17 =	simm.s32 $0x62;
	[sflag:s23] =	ssyncadd.s32 $0xFFFFFF00  }
0x1f: {  	s18 =	sand.u32 @!p2 $0x1, s3;
	p2 =	por p2, p2;
	_ =	strace $0x9000004A  }
0x20: {  	s16 =	sor.u32 $0x410, s26;
	s26 =	simm.s32 $0x1;
	_ =	strace $0x8000004B  }
0x21: {  	s22 =	sadd.s32 @!p2 $0x3, s18;
	s18 =	simm.s32 $0x1;
	s20 =	rddreg [dreg:$0x4]  }
0x22: {  	[tilespmem:s25], [sflag:$0x5] =	stream.indirect.gather [spmem:s2], $0x80, s16, s20, $0x2000b8;
	[tilespmem:$0x10610] =	vst v63  }
0x23: {  	s18 =	simm.s32 @!p4 $0x0;
	s20 =	sadd.s32 $0x1, s15;
	s16 =	simm.s32 $0x1  }
0x24: {  	_ =	swait.ge [sflag:s11], $0x8000;
	p5 =	seq.s32 s20, $0x64;
	s16 =	simm.s32 @!p3 $0x0  }
0x25: {  	[sflag:s11] =	ssyncset.done $0x0;
	s20 =	simm.s32 @p5 $0x0;
	p5 =	por p6, p1  }
0x26: {  	p6 =	por $0x1, $0x1;
	s23 =	sadd.s32 $0x1, s16;
	s16 =	simm.s32 $0x0  }
0x27: {  	[sflag:s11] =	ssyncadd.s32 $0xFFFF8000;
	p1 =	sne.s32 s15, s20;
	s28 =	sshll.u32 @p5 s19, $0xC  }
0x28: {  	s26 =	simm.s32 @!p5 $0x0;
	p3 =	por !p6, !p1;
	_ =	strace $0x9000004B  }
0x29: {  	s19 =	simm.s32 $0x0;
	p3 =	por !p3, !p3;
	_ =	strace @p5 $0x8000004C  }
0x2a: {  	s29 =	sand.u32 @p3 $0x1, s23;
	s31 =	sadd.s32 @p3 s5, s20;
	s30 =	rddreg [dreg:$0x5]  }
.LBB2_2:
0x2b: {  	s31 =	sshll.u32 @p3 s31, $0x5;
	s0 =	sand.u32 @p5 $0x1FFFF000, s28;
	s9 =	simm.s32 @p5 $0x0  }
0x2c: {  	s28 =	smov.u32 s14;
	s14 =	smov.u32 s17;
	s10 =	smov.u32 s15  }
0x2d: {  	s15 =	sshll.u32 @p3 s29, $0x8;
	s24 =	sadd.s32 @p5 $0x3, s24;
	s19 =	sadd.s32 s26, s19  }
0x2e: {  	s21 =	sadd.s32 s26, s21;
	s17 =	sadd.s32 $0xFFFFFFFF, s17;
	s0 =	sadd.s32 @p5 s30, s0  }
0x2f: {  	[hbm4b:s0+s9] =	stream.linear.scatter @p5 [tilespmem:s25], [sflag:s24], $0x8000, $0x200038;
	[tilespmem:$0x10610] =	vst v63  }
0x30: {  	s16 =	sadd.s32 s18, s16;
	s31 =	sand.u32 @p3 $0x1FFFFFE0, s31;
	_ =	strace @p5 $0x9000004C  }
0x31: {  	s4 =	sor.u32 @p3 $0x410, s15;
	s26 =	sand.u32 $0x1, s21;
	_ =	strace @!p2 $0x8000004D  }
0x32: {  	p4 =	sne.s32 s17, $0x0;
	s15 =	smov.u32 s20;
	_ =	swait.ge @!p2 [sflag:s22], $0x8000  }
0x33: {  	s20 =	sadd.s32 $0x1, s20;
	s31 =	sadd.s32 @p3 s1, s31;
	[sflag:s22] =	ssyncset.done @!p2 $0x0  }
0x34: {  	s25 =	sshll.u32 s21, $0x8;
	s24 =	simm.s32 @p3 $0x0;
	[sflag:s22] =	ssyncadd.s32 @!p2 $0xFFFF8000  }
0x35: {  	s0 =	sadd.s32 $0x1, s26;
	p6 =	seq.s32 s20, $0x64;
	_ =	strace @!p2 $0x9000004D  }
0x36: {  	s9 =	sand.u32 $0x100, s25;
	s22 =	sadd.s32 @p3 $0x1, s29;
	_ =	strace @p3 $0x80000049  }
0x37: {  	[tilespmem:s4], [sflag:s22] =	stream.linear.gather @p3 [hbm4b:s31+s24], $0x100, $0x200038;
	[tilespmem:$0x10610] =	vst v63  }
0x38: {  	p5 =	seq.s32 s28, $0x64;
	s20 =	simm.s32 @p6 $0x0;
	_ =	strace @p3 $0x90000049  }
0x39: {  	p6 =	sne.s32 s14, $0x1;
	s18 =	sand.u32 @!p5 $0x1, s16;
	_ =	strace $0x8000004A  }
0x3a: {  	s9 =	sor.u32 $0x410, s9;
	p2 =	por p5, p5;
	_ =	swait.ge [sflag:s0], $0x100  }
0x3b: {  	p5 =	sne.s32 s28, $0x64;
	s24 =	sand.u32 $0x1, s19;
	[sflag:s0] =	ssyncset.done $0x0  }
0x3c: {  	s22 =	sadd.s32 @!p2 $0x3, s18;
	s18 =	simm.s32 $0x1;
	[sflag:s0] =	ssyncadd.s32 $0xFFFFFF00  }
0x3d: {  	s26 =	sshll.u32 s24, $0xF;
	s18 =	simm.s32 @!p5 $0x0;
	_ =	strace $0x9000004A  }
0x3e: {  	p5 =	seq.s32 s28, $0x1;
	s25 =	sor.u32 $0x610, s26;
	_ =	strace $0x8000004B  }
0x3f: {  	p5 =	por p5, p1;
	s26 =	simm.s32 $0x1;
	s4 =	rddreg [dreg:$0x4]  }
0x40: {  	[tilespmem:s25], [sflag:$0x5] =	stream.indirect.gather [spmem:s2], $0x80, s9, s4, $0x2000b8;
	[tilespmem:$0x10610] =	vst v63  }
0x41: {  	p1 =	sne.s32 s15, s20;
	s26 =	simm.s32 @!p5 $0x0;
	_ =	swait.ge [sflag:s11], $0x8000  }
.Ltmp0:
0x42: {  	s0 =	sadd.s32 s5, s10;
	[sflag:s11] =	ssyncset.done $0x0;
	(pc) =	sbr.rel @p4 .LBB2_2-.Ltmp0, $4  }
0x43: {  	s28 =	sshll.u32 @p5 s0, $0xC;
	s4 =	simm.s32 $0x1;
	[sflag:s11] =	ssyncadd.s32 $0xFFFF8000  }
0x44: {  	s4 =	simm.s32 @!p3 $0x0;
	p3 =	por !p6, !p1;
	_ =	strace $0x9000004B  }
0x45: {  	p3 =	por !p3, !p3;
	s23 =	sadd.s32 s4, s23;
	_ =	strace @p5 $0x8000004C  }
0x46: {  	s29 =	sand.u32 @p3 $0x1, s23;
	s31 =	sadd.s32 @p3 s5, s20;
	s30 =	rddreg [dreg:$0x5]  }
0x47: {  	s0 =	sand.u32 @p5 $0x1FFFF000, s28  }
0x48: {  	s4 =	simm.s32 @p5 $0x0;
	s9 =	sadd.s32 @p5 $0x3, s24;
	s0 =	sadd.s32 @p5 s30, s0  }
0x49: {  	[hbm4b:s0+s4] =	stream.linear.scatter @p5 [tilespmem:s25], [sflag:s9], $0x8000, $0x200038;
	[tilespmem:$0x10610] =	vst v63  }
0x4a: {  	_ =	strace @p5 $0x9000004C  }
0x4b: {  	_ =	strace @!p2 $0x8000004D  }
0x4c: {  	_ =	swait.ge @!p2 [sflag:s22], $0x8000  }
0x4d: {  	s24 =	sadd.s32 s26, s21;
	s10 =	sadd.s32 @p3 $0x1, s29;
	[sflag:s22] =	ssyncset.done @!p2 $0x0  }
0x4e: {  	s17 =	simm.s32 @p3 $0x0;
	s0 =	sshll.u32 @p3 s31, $0x5;
	[sflag:s22] =	ssyncadd.s32 @!p2 $0xFFFF8000  }
0x4f: {  	s4 =	sshll.u32 @p3 s29, $0x8;
	s0 =	sand.u32 @p3 $0x1FFFFFE0, s0;
	_ =	strace @!p2 $0x9000004D  }
0x50: {  	s4 =	sor.u32 @p3 $0x410, s4;
	s0 =	sadd.s32 @p3 s1, s0;
	_ =	strace @p3 $0x80000049  }
0x51: {  	[tilespmem:s4], [sflag:s10] =	stream.linear.gather @p3 [hbm4b:s0+s17], $0x100, $0x200038;
	[tilespmem:$0x10610] =	vst v63  }
0x52: {  	s25 =	sand.u32 $0x1, s24;
	_ =	strace @p3 $0x90000049  }
0x53: {  	s0 =	sadd.s32 $0x1, s25;
	_ =	strace $0x8000004A  }
0x54: {  	_ =	swait.ge [sflag:s0], $0x100  }
0x55: {  	[sflag:s0] =	ssyncset.done $0x0  }
0x56: {  	s28 =	sadd.s32 s26, s19;
	[sflag:s0] =	ssyncadd.s32 $0xFFFFFF00  }
0x57: {  	s29 =	sshll.u32 s24, $0x8;
	s0 =	sand.u32 $0x1, s28;
	_ =	strace $0x9000004A  }
0x58: {  	s4 =	sand.u32 $0x100, s29;
	s31 =	sshll.u32 s0, $0xF;
	_ =	strace $0x8000004B  }
0x59: {  	s4 =	sor.u32 $0x410, s4;
	s10 =	sor.u32 $0x610, s31;
	s30 =	rddreg [dreg:$0x4]  }
0x5a: {  	[tilespmem:s10], [sflag:$0x5] =	stream.indirect.gather [spmem:s2], $0x80, s4, s30, $0x2000b8;
	[tilespmem:$0x10610] =	vst v63  }
0x5b: {  	_ =	swait.ge [sflag:s11], $0x8000  }
0x5c: {  	[sflag:s11] =	ssyncset.done $0x0  }
0x5d: {  	p6 =	seq.s32 s14, $0x1;
	[sflag:s11] =	ssyncadd.s32 $0xFFFF8000  }
0x5e: {  	p1 =	por p6, p1;
	s4 =	sadd.s32 s5, s15;
	_ =	strace $0x9000004B  }
0x5f: {  	p2 =	seq.s32 s14, $0x64;
	s4 =	sshll.u32 @p1 s4, $0xC;
	_ =	strace @p1 $0x8000004C  }
0x60: {  	s14 =	sadd.s32 s18, s16;
	s4 =	sand.u32 @p1 $0x1FFFF000, s4;
	s9 =	rddreg [dreg:$0x5]  }
0x61: {  	s0 =	sadd.s32 @p1 $0x3, s0;
	s15 =	simm.s32 @p1 $0x0;
	s4 =	sadd.s32 @p1 s9, s4  }
0x62: {  	[hbm4b:s4+s15] =	stream.linear.scatter @p1 [tilespmem:s10], [sflag:s0], $0x8000, $0x200038;
	[tilespmem:$0x10610] =	vst v63  }
0x63: {  	s0 =	sand.u32 @!p2 $0x1, s14;
	p2 =	por p2, p2;
	_ =	strace @p1 $0x9000004C  }
0x64: {  	s0 =	sadd.s32 @!p2 $0x3, s0;
	_ =	strace @!p2 $0x8000004D  }
0x65: {  	_ =	swait.ge @!p2 [sflag:s0], $0x8000  }
0x66: {  	[sflag:s0] =	ssyncset.done @!p2 $0x0  }
0x67: {  	s13 =	sadd.s32 $0x1, s13;
	[sflag:s0] =	ssyncadd.s32 @!p2 $0xFFFF8000  }
0x68: {  	p1 =	sne.s32 s13, s7;
	_ =	strace @!p2 $0x9000004D  }
.Ltmp1:
0x69: {  	_ =	strace $0x8000004E;
	(pc) =	sbr.rel @p1 .LBB2_1-.Ltmp1, $4  }
0x6a: {  	_ =	swait.ge [sflag:s12], $0x8000  }
0x6b: {  	[sflag:s12] =	ssyncset.done $0x0  }
0x6c: {  	[sflag:s12] =	ssyncadd.s32 $0xFFFF8000  }
0x6d: {  	_ =	strace $0x9000004E  }
0x6e: {  	_ =	sfence.sel $0x180000  }
0x6f: {  	[bflag:$0x0] =	sbarrier.arrive $0xFFFF  }
0x70: {  	_ =	strace $0x90000047  }
0x71: {  	[bflag:$0x2] =	sbarrier.arrive $0xFFFF  }
0x72: {  	s0 =	rddreg [dreg:$0x3]  }
0x73: {  	s0 =	sadd.s32 @!p0 $0x100000, s0  }
0x74: {  	[sflag:s0] =	ssyncadd.tile.s32 @!p0 $0x1;
	_ =	shalt  }
.Lfunc_end2:
_tile_overlayer_lowered:
.L_overlay_start_2:
0x75: {  	(tag) =	ssettag $0x2  }
0x76: {  	s0 =	rddreg [dreg:$0x0];
	s2 =	stileid.u32  }
0x77: {  	s1 =	rddreg [dreg:$0x1];
	p0 =	sne.s32 s2, $0x0  }
0x78: {  	s3 =	rddreg [dreg:$0x2];
	[bflag:$0x3] =	sbarrier.arrive $0xFFFF;
	s2 =	simm.s32 @!p0 $0x1C01  }
0x79: {  	[timem:s3], [sflag:s2] =	dma.local @!p0 [hbm:s0], s1  }
0x7a: {  	s0 =	simm.s32 @!p0 $0x1  }
0x7b: {  	_ =	swait.ge @!p0 [sflag:s0], s1  }
0x7c: {  	s1 =	ssub.s32 @!p0 $0x0, s1;
	[sflag:s0] =	ssyncset.done @!p0 $0x0  }
0x7d: {  	[sflag:s0] =	ssyncadd.s32 @!p0 s1  }
0x7e: {  	[bflag:$0x3] =	sbarrier.arrive $0xFFFF  }
0x7f: {  	_ =	shalt  }

</sc_bundles>
